<compile_context>
chip_gen: v7x
topology: tpu7x:2x2x1
jax: 0.10.2.dev20260603
libtpu: 0.0.44.dev20260713+nightly
codegen_flags: <defaults>
</compile_context>

<pallas_src>
import functools

import jax
import jax.numpy as jnp
from jax import lax
from jax.experimental import pallas as pl
from jax.experimental.pallas import tpu as pltpu
from jax.experimental.pallas import tpu_sc as plsc

_CB = 8192
_D = 32
_TB = 1024
_CH = 2048
_NCH = _CB // _CH
_BETA = 0.25

_NC = 2
_NS = 16
_NW = _NC * _NS
_BPW = _CB // _NW
_IDXC = 128


def _argmin_body(cn_ref, zn_ref, cb_ref, z_ref, idx_ref):
    zbv = z_ref[...].astype(jnp.bfloat16)
    col = lax.broadcasted_iota(jnp.int32, (8, _CH), 1)
    row = lax.broadcasted_iota(jnp.int32, (8, _CH), 0)
    rsel = jnp.where(
        row == 0, col & 255,
        jnp.where(row == 1, col >> 8,
                  jnp.where(row == 2, 1, 0))).astype(jnp.float32)

    def chunk(j, carry):
        bv, bi = carry
        cbc = (cb_ref[pl.ds(j * _CH, _CH), :] * 2.0).astype(jnp.bfloat16)
        mm2 = lax.dot_general(
            cbc, zbv, (((1,), (1,)), ((), ())),
            preferred_element_type=jnp.float32)
        t = cn_ref[pl.ds(j * _CH, _CH), :] + zn_ref[0]
        d = t - mm2
        m = jnp.min(d, axis=0, keepdims=True)
        eqf = (d == m).astype(jnp.float32)
        sums = lax.dot_general(
            rsel, eqf, (((1,), (0,)), ((), ())),
            preferred_element_type=jnp.float32)
        cif_fast = sums[1:2] * 256.0 + sums[0:1]
        nmatch = sums[2:3]

        def slow():
            rid = (lax.broadcasted_iota(jnp.int32, (_CH, _TB), 0)
                   .astype(jnp.float32))
            cand = jnp.where(d == m, rid, jnp.inf)
            return jnp.min(cand, axis=0, keepdims=True)

        cif = lax.cond(jnp.max(nmatch) > 1.5, slow, lambda: cif_fast)
        ci = cif.astype(jnp.int32) + j * _CH
        keep = bv <= m
        nv = jnp.where(keep, bv, m)
        ni = jnp.where(keep, bi, ci)
        nv = nv.astype(jnp.bfloat16).astype(jnp.float32)
        return nv, ni

    bv0 = jnp.full((1, _TB), jnp.inf, jnp.float32)
    bi0 = jnp.zeros((1, _TB), jnp.int32)
    _, bi = lax.fori_loop(0, _NCH, chunk, (bv0, bi0))
    idx_ref[...] = bi.reshape(1, 1, _TB)


def _argmin_call(cn2, zn3, cb, z_flat):
    return pl.pallas_call(
        _argmin_body,
        grid=(8,),
        in_specs=[
            pl.BlockSpec((_CB, 1), lambda i: (0, 0)),
            pl.BlockSpec((1, 1, _TB), lambda i: (i, 0, 0)),
            pl.BlockSpec((_CB, _D), lambda i: (0, 0)),
            pl.BlockSpec((_TB, _D), lambda i: (i, 0)),
        ],
        out_specs=pl.BlockSpec((1, 1, _TB), lambda i: (i, 0, 0)),
        out_shape=jax.ShapeDtypeStruct((8, 1, _TB), jnp.int32),
    )(cn2, zn3, cb, z_flat)


def _sc_body(cb_hbm, idx_hbm, zeros_hbm, ones_hbm, zq_hbm, cnt_hbm,
             idx_v0, idx_v1, rows_v0, rows_v1, ones_v, slab_v, counts_sp,
             sem0, sem1):
    c = lax.axis_index("c")
    s = lax.axis_index("s")
    wid = s * _NC + c
    base = wid * _BPW

    pltpu.sync_copy(idx_hbm.at[pl.ds(base, _IDXC)], idx_v0)
    pltpu.sync_copy(idx_hbm.at[pl.ds(base + _IDXC, _IDXC)], idx_v1)
    cp0 = pltpu.async_copy(cb_hbm.at[idx_v0], rows_v0, sem0)
    cp1 = pltpu.async_copy(cb_hbm.at[idx_v1], rows_v1, sem1)

    @pl.when(s == 0)
    def _zero():
        pltpu.sync_copy(zeros_hbm, counts_sp)

    pltpu.sync_copy(ones_hbm, ones_v)
    cp0.wait()
    cp1.wait()
    pltpu.sync_copy(rows_v0, zq_hbm.at[pl.ds(base, _IDXC)])
    pltpu.sync_copy(rows_v1, zq_hbm.at[pl.ds(base + _IDXC, _IDXC)])

    plsc.subcore_barrier()
    pltpu.sync_copy(ones_v, counts_sp.at[idx_v0], add=True)
    pltpu.sync_copy(ones_v, counts_sp.at[idx_v1], add=True)
    plsc.subcore_barrier()

    rows_per_tile = _CB // _NS
    pltpu.sync_copy(counts_sp.at[pl.ds(s * rows_per_tile, rows_per_tile)],
                    slab_v)
    pltpu.sync_copy(slab_v, cnt_hbm.at[c, pl.ds(s * rows_per_tile,
                                                rows_per_tile)])


@functools.partial(
    pl.kernel,
    out_type=(jax.ShapeDtypeStruct((_CB, _D), jnp.float32),
              jax.ShapeDtypeStruct((_NC, _CB, 16), jnp.float32)),
    mesh=plsc.VectorSubcoreMesh(core_axis_name="c", subcore_axis_name="s",
                                num_cores=_NC, num_subcores=_NS),
    compiler_params=pltpu.CompilerParams(use_tc_tiling_on_sc=False),
    scratch_types=(
        pltpu.VMEM((_IDXC,), jnp.int32),
        pltpu.VMEM((_IDXC,), jnp.int32),
        pltpu.VMEM((_IDXC, _D), jnp.float32),
        pltpu.VMEM((_IDXC, _D), jnp.float32),
        pltpu.VMEM((_IDXC, 16), jnp.float32),
        pltpu.VMEM((_CB // _NS, 16), jnp.float32),
        pltpu.VMEM_SHARED((_CB, 16), jnp.float32),
        pltpu.SemaphoreType.DMA,
        pltpu.SemaphoreType.DMA,
    ),
)
def _sc_gather_hist(cb_hbm, idx_hbm, zeros_hbm, ones_hbm, zq_hbm, cnt_hbm,
                    idx_v0, idx_v1, rows_v0, rows_v1, ones_v, slab_v,
                    counts_sp, sem0, sem1):
    _sc_body(cb_hbm, idx_hbm, zeros_hbm, ones_hbm, zq_hbm, cnt_hbm,
             idx_v0, idx_v1, rows_v0, rows_v1, ones_v, slab_v, counts_sp,
             sem0, sem1)


def _epi_body(z_ref, zq_ref, cnt_ref, zqst_ref, loss_ref, perp_ref):
    zv = z_ref[...]
    qv = zq_ref[...]
    diff = qv - zv
    zqst_ref[...] = zv + diff
    msq = jnp.mean(diff * diff)
    loss_ref[...] = jnp.reshape(_BETA * msq + msq, (1, 1))
    c2 = cnt_ref[0] + cnt_ref[1]
    e = c2 * (1.0 / _CB)
    el = e * jnp.log(e + 1e-8)
    lane = lax.broadcasted_iota(jnp.int32, (_CB // 8, 128), 1)
    ent = jnp.sum(jnp.where((lane & 15) == 0, el, 0.0))
    perp_ref[...] = jnp.reshape(jnp.exp(-ent), (1, 1))


def _epi_call(z_flat, zq, cnt):
    return pl.pallas_call(
        _epi_body,
        in_specs=[
            pl.BlockSpec((_CB, _D), lambda: (0, 0)),
            pl.BlockSpec((_CB, _D), lambda: (0, 0)),
            pl.BlockSpec((_NC, _CB // 8, 128), lambda: (0, 0, 0)),
        ],
        out_specs=[
            pl.BlockSpec((_CB, _D), lambda: (0, 0)),
            pl.BlockSpec((1, 1), lambda: (0, 0)),
            pl.BlockSpec((1, 1), lambda: (0, 0)),
        ],
        out_shape=[
            jax.ShapeDtypeStruct((_CB, _D), jnp.float32),
            jax.ShapeDtypeStruct((1, 1), jnp.float32),
            jax.ShapeDtypeStruct((1, 1), jnp.float32),
        ],
    )(z_flat, zq, cnt)


def kernel(z, codebook):
    z_flat = z.reshape(-1, _D)
    zn = jnp.sum(z_flat ** 2, axis=1)
    cn = jnp.sum(codebook ** 2, axis=1)

    idx = _argmin_call(cn.reshape(_CB, 1), zn.reshape(8, 1, _TB),
                       codebook, z_flat).reshape(-1)

    zeros = jnp.zeros((_CB, 16), jnp.float32)
    ones = jnp.ones((_IDXC, 16), jnp.float32)
    z_q, cnt = _sc_gather_hist(codebook, idx, zeros, ones)

    zq_st, loss, perp = _epi_call(z_flat, z_q, cnt.reshape(_NC, _CB // 8, 128))
    return (zq_st.reshape(z.shape), loss[0, 0], perp[0, 0])

# --- scband reference (transcript-rebuilt; emitter-appended) ---
"""Pipeline reference for scband-vanilla-vq-1657857376702 (READ-ONLY COPY).

The authoritative reference and input builder live on the scoring server;
editing this copy changes nothing except your own understanding.
"""

import jax, jax.numpy as jnp
import numpy as np

CODEBOOK_SIZE = 8192
EMBED_DIM = 32
BETA = 0.25


def setup_inputs(seed: int = 0) -> dict:
    key = jax.random.key(seed)
    k_z, k_cb = jax.random.split(key, 2)
    z = jax.random.normal(k_z, (8, 1024, EMBED_DIM), dtype=jnp.float32)
    # nn.Embedding weight initialized uniform(-1/dim, 1/dim)
    codebook = jax.random.uniform(
        k_cb, (CODEBOOK_SIZE, EMBED_DIM), dtype=jnp.float32,
        minval=-1.0 / EMBED_DIM, maxval=1.0 / EMBED_DIM)
    return {"z": z, "codebook": codebook}


def reference(z, codebook):
    assert z.shape[-1] == EMBED_DIM
    z_flat = z.reshape(-1, EMBED_DIM)
    # squared L2 distance: ||z||^2 + ||e||^2 - 2 z e^T
    d = (jnp.sum(z_flat ** 2, axis=1, keepdims=True)
         + jnp.sum(codebook ** 2, axis=1)
         - 2.0 * jnp.einsum('bd,dn->bn', z_flat, codebook.T))
    min_encoding_indices = jnp.argmin(d, axis=1)
    z_q = jnp.take(codebook, min_encoding_indices, axis=0).reshape(z.shape)
    counts = jnp.bincount(min_encoding_indices, minlength=CODEBOOK_SIZE, length=CODEBOOK_SIZE)
    e_mean = counts.astype(jnp.float32) / min_encoding_indices.size
    perplexity = jnp.exp(-jnp.sum(e_mean * jnp.log(e_mean + 1e-8)))
    commit_loss = (BETA * jnp.mean((jax.lax.stop_gradient(z_q) - z) ** 2)
                   + jnp.mean((z_q - jax.lax.stop_gradient(z)) ** 2))
    z_q_st = z + jax.lax.stop_gradient(z_q - z)
    return (z_q_st, commit_loss, perplexity)

if __name__ == "__main__":
    import jax
    _d = setup_inputs()
    print(jax.jit(kernel)(*tuple(_d.values())))

</pallas_src>

<mosaic_0001>
#map = affine_map<(d0, d1) -> (0, 0)>
#map1 = affine_map<(d0, d1) -> (0)>
#map2 = affine_map<(d0, d1) -> (0, 0, 0)>
module attributes {stable_mosaic.version = 14 : i64} {
  func.func @_sc_gather_hist(%arg0: i32, %arg1: i32, %arg2: memref<8192x32xf32, #tpu.memory_space<hbm>>, %arg3: memref<8192xi32, #tpu.memory_space<hbm>>, %arg4: memref<8192x16xf32, #tpu.memory_space<hbm>>, %arg5: memref<128x16xf32, #tpu.memory_space<hbm>>, %arg6: memref<8192x32xf32, #tpu.memory_space<hbm>>, %arg7: memref<2x8192x16xf32, #tpu.memory_space<hbm>>, %arg8: memref<128xi32, #tpu.memory_space<vmem>>, %arg9: memref<128xi32, #tpu.memory_space<vmem>>, %arg10: memref<128x32xf32, #tpu.memory_space<vmem>>, %arg11: memref<128x32xf32, #tpu.memory_space<vmem>>, %arg12: memref<128x16xf32, #tpu.memory_space<vmem>>, %arg13: memref<512x16xf32, #tpu.memory_space<vmem>>, %arg14: memref<8192x16xf32, #tpu.memory_space<vmem_shared>>, %arg15: memref<!tpu.dma_semaphore, #tpu.memory_space<semaphore_mem>>, %arg16: memref<!tpu.dma_semaphore, #tpu.memory_space<semaphore_mem>>) attributes {dimension_semantics = [#tpu.dimension_semantics<core_parallel>, #tpu.dimension_semantics<subcore_parallel>], iteration_bounds = array<i64: 2, 16>, scalar_prefetch = 0 : i64, scratch_operands = 9 : i64, tpu.core_type = #tpu.core_type<sc_vector_subcore>, window_params = [{transform_indices = #map}, {transform_indices = #map1}, {transform_indices = #map}, {transform_indices = #map}, {transform_indices = #map}, {transform_indices = #map2}]} {
    %mul3A = arith.constant 2 : i32
    %mul3A_0 = arith.muli %arg1, %mul3A : i32
    %add3A = arith.addi %mul3A_0, %arg0 : i32
    %mul3A_1 = arith.constant 256 : i32
    %mul3A_2 = arith.muli %add3A, %mul3A_1 : i32
    "tpu.region"() ({
      %run_scoped3A = tpu.sem_alloc : memref<!tpu.dma_semaphore, #tpu.memory_space<semaphore_mem>>
      %dma_start3A_24 = tpu.memref_slice %arg3[%mul3A_2] : memref<8192xi32, #tpu.memory_space<hbm>> -> memref<128xi32, #tpu.memory_space<hbm>>
      %dma_start3A_25 = tpu.memref_slice %arg3[%mul3A_2] : memref<8192xi32, #tpu.memory_space<hbm>> -> memref<128xi32, #tpu.memory_space<hbm>>
      tpu.enqueue_dma source(%dma_start3A_25 : memref<128xi32, #tpu.memory_space<hbm>>) target(%arg8 : memref<128xi32, #tpu.memory_space<vmem>>) target_semaphore(%run_scoped3A : memref<!tpu.dma_semaphore, #tpu.memory_space<semaphore_mem>>)
      %dma_wait3A_26 = tpu.memref_slice %arg3[%mul3A_2] : memref<8192xi32, #tpu.memory_space<hbm>> -> memref<128xi32, #tpu.memory_space<hbm>>
      %dma_wait3A_27 = tpu.memref_slice %arg3[%mul3A_2] : memref<8192xi32, #tpu.memory_space<hbm>> -> memref<128xi32, #tpu.memory_space<hbm>>
      tpu.wait_dma2 semaphore(%run_scoped3A : memref<!tpu.dma_semaphore, #tpu.memory_space<semaphore_mem>>) src(%dma_wait3A_27 : memref<128xi32, #tpu.memory_space<hbm>>) dst(%arg8 : memref<128xi32, #tpu.memory_space<vmem>>)
      tpu.yield
    }) : () -> ()
    %add3A_3 = arith.constant 128 : i32
    %add3A_4 = arith.addi %mul3A_2, %add3A_3 : i32
    "tpu.region"() ({
      %run_scoped3A = tpu.sem_alloc : memref<!tpu.dma_semaphore, #tpu.memory_space<semaphore_mem>>
      %dma_start3A_24 = tpu.memref_slice %arg3[%add3A_4] : memref<8192xi32, #tpu.memory_space<hbm>> -> memref<128xi32, #tpu.memory_space<hbm>>
      %dma_start3A_25 = tpu.memref_slice %arg3[%add3A_4] : memref<8192xi32, #tpu.memory_space<hbm>> -> memref<128xi32, #tpu.memory_space<hbm>>
      tpu.enqueue_dma source(%dma_start3A_25 : memref<128xi32, #tpu.memory_space<hbm>>) target(%arg9 : memref<128xi32, #tpu.memory_space<vmem>>) target_semaphore(%run_scoped3A : memref<!tpu.dma_semaphore, #tpu.memory_space<semaphore_mem>>)
      %dma_wait3A_26 = tpu.memref_slice %arg3[%add3A_4] : memref<8192xi32, #tpu.memory_space<hbm>> -> memref<128xi32, #tpu.memory_space<hbm>>
      %dma_wait3A_27 = tpu.memref_slice %arg3[%add3A_4] : memref<8192xi32, #tpu.memory_space<hbm>> -> memref<128xi32, #tpu.memory_space<hbm>>
      tpu.wait_dma2 semaphore(%run_scoped3A : memref<!tpu.dma_semaphore, #tpu.memory_space<semaphore_mem>>) src(%dma_wait3A_27 : memref<128xi32, #tpu.memory_space<hbm>>) dst(%arg9 : memref<128xi32, #tpu.memory_space<vmem>>)
      tpu.yield
    }) : () -> ()
    %dma_start3A = arith.constant 0 : i32
    %dma_start3A_5 = arith.constant 0 : i32
    %dma_start3A_6 = tpu.memref_slice %arg2[%dma_start3A, %dma_start3A_5] : memref<8192x32xf32, #tpu.memory_space<hbm>> -> memref<8192x32xf32, #tpu.memory_space<hbm>>
    tpu.enqueue_indirect_dma source(%dma_start3A_6 : memref<8192x32xf32, #tpu.memory_space<hbm>>) target(%arg10 : memref<128x32xf32, #tpu.memory_space<vmem>>) offsets(%arg8 : memref<128xi32, #tpu.memory_space<vmem>>) semaphore(%arg15 : memref<!tpu.dma_semaphore, #tpu.memory_space<semaphore_mem>>)
    %dma_start3A_7 = arith.constant 0 : i32
    %dma_start3A_8 = arith.constant 0 : i32
    %dma_start3A_9 = tpu.memref_slice %arg2[%dma_start3A_7, %dma_start3A_8] : memref<8192x32xf32, #tpu.memory_space<hbm>> -> memref<8192x32xf32, #tpu.memory_space<hbm>>
    tpu.enqueue_indirect_dma source(%dma_start3A_9 : memref<8192x32xf32, #tpu.memory_space<hbm>>) target(%arg11 : memref<128x32xf32, #tpu.memory_space<vmem>>) offsets(%arg9 : memref<128xi32, #tpu.memory_space<vmem>>) semaphore(%arg16 : memref<!tpu.dma_semaphore, #tpu.memory_space<semaphore_mem>>)
    %eq3A = arith.constant 0 : i32
    %eq3A_10 = arith.cmpi eq, %arg1, %eq3A : i32
    %convert_element_type3A = arith.extui %eq3A_10 : i1 to i32
    %cond3A = arith.constant 0 : i32
    %cond3A_11 = arith.cmpi ne, %convert_element_type3A, %cond3A : i32
    scf.if %cond3A_11 {
      "tpu.region"() ({
        %run_scoped3A = tpu.sem_alloc : memref<!tpu.dma_semaphore, #tpu.memory_space<semaphore_mem>>
        tpu.enqueue_dma source(%arg4 : memref<8192x16xf32, #tpu.memory_space<hbm>>) target(%arg14 : memref<8192x16xf32, #tpu.memory_space<vmem_shared>>) target_semaphore(%run_scoped3A : memref<!tpu.dma_semaphore, #tpu.memory_space<semaphore_mem>>)
        tpu.wait_dma2 semaphore(%run_scoped3A : memref<!tpu.dma_semaphore, #tpu.memory_space<semaphore_mem>>) src(%arg4 : memref<8192x16xf32, #tpu.memory_space<hbm>>) dst(%arg14 : memref<8192x16xf32, #tpu.memory_space<vmem_shared>>)
        tpu.yield
      }) : () -> ()
    } else {
    }
    "tpu.region"() ({
      %run_scoped3A = tpu.sem_alloc : memref<!tpu.dma_semaphore, #tpu.memory_space<semaphore_mem>>
      tpu.enqueue_dma source(%arg5 : memref<128x16xf32, #tpu.memory_space<hbm>>) target(%arg12 : memref<128x16xf32, #tpu.memory_space<vmem>>) target_semaphore(%run_scoped3A : memref<!tpu.dma_semaphore, #tpu.memory_space<semaphore_mem>>)
      tpu.wait_dma2 semaphore(%run_scoped3A : memref<!tpu.dma_semaphore, #tpu.memory_space<semaphore_mem>>) src(%arg5 : memref<128x16xf32, #tpu.memory_space<hbm>>) dst(%arg12 : memref<128x16xf32, #tpu.memory_space<vmem>>)
      tpu.yield
    }) : () -> ()
    %dma_wait3A = arith.constant 0 : i32
    %dma_wait3A_12 = arith.constant 0 : i32
    %dma_wait3A_13 = tpu.memref_slice %arg2[%dma_wait3A, %dma_wait3A_12] : memref<8192x32xf32, #tpu.memory_space<hbm>> -> memref<8192x32xf32, #tpu.memory_space<hbm>>
    tpu.wait_indirect_dma semaphore(%arg15 : memref<!tpu.dma_semaphore, #tpu.memory_space<semaphore_mem>>) src(%dma_wait3A_13 : memref<8192x32xf32, #tpu.memory_space<hbm>>) dst(%arg10 : memref<128x32xf32, #tpu.memory_space<vmem>>)
    %dma_wait3A_14 = arith.constant 0 : i32
    %dma_wait3A_15 = arith.constant 0 : i32
    %dma_wait3A_16 = tpu.memref_slice %arg2[%dma_wait3A_14, %dma_wait3A_15] : memref<8192x32xf32, #tpu.memory_space<hbm>> -> memref<8192x32xf32, #tpu.memory_space<hbm>>
    tpu.wait_indirect_dma semaphore(%arg16 : memref<!tpu.dma_semaphore, #tpu.memory_space<semaphore_mem>>) src(%dma_wait3A_16 : memref<8192x32xf32, #tpu.memory_space<hbm>>) dst(%arg11 : memref<128x32xf32, #tpu.memory_space<vmem>>)
    "tpu.region"() ({
      %run_scoped3A = tpu.sem_alloc : memref<!tpu.dma_semaphore, #tpu.memory_space<semaphore_mem>>
      %dma_start3A_24 = arith.constant 0 : i32
      %dma_start3A_25 = tpu.memref_slice %arg6[%mul3A_2, %dma_start3A_24] : memref<8192x32xf32, #tpu.memory_space<hbm>> -> memref<128x32xf32, #tpu.memory_space<hbm>>
      %dma_start3A_26 = arith.constant 0 : i32
      %dma_start3A_27 = tpu.memref_slice %arg6[%mul3A_2, %dma_start3A_26] : memref<8192x32xf32, #tpu.memory_space<hbm>> -> memref<128x32xf32, #tpu.memory_space<hbm>>
      tpu.enqueue_dma source(%arg10 : memref<128x32xf32, #tpu.memory_space<vmem>>) target(%dma_start3A_27 : memref<128x32xf32, #tpu.memory_space<hbm>>) target_semaphore(%run_scoped3A : memref<!tpu.dma_semaphore, #tpu.memory_space<semaphore_mem>>)
      %dma_wait3A_28 = arith.constant 0 : i32
      %dma_wait3A_29 = tpu.memref_slice %arg6[%mul3A_2, %dma_wait3A_28] : memref<8192x32xf32, #tpu.memory_space<hbm>> -> memref<128x32xf32, #tpu.memory_space<hbm>>
      %dma_wait3A_30 = arith.constant 0 : i32
      %dma_wait3A_31 = tpu.memref_slice %arg6[%mul3A_2, %dma_wait3A_30] : memref<8192x32xf32, #tpu.memory_space<hbm>> -> memref<128x32xf32, #tpu.memory_space<hbm>>
      tpu.wait_dma2 semaphore(%run_scoped3A : memref<!tpu.dma_semaphore, #tpu.memory_space<semaphore_mem>>) src(%arg10 : memref<128x32xf32, #tpu.memory_space<vmem>>) dst(%dma_wait3A_31 : memref<128x32xf32, #tpu.memory_space<hbm>>)
      tpu.yield
    }) : () -> ()
    %add3A_17 = arith.constant 128 : i32
    %add3A_18 = arith.addi %mul3A_2, %add3A_17 : i32
    "tpu.region"() ({
      %run_scoped3A = tpu.sem_alloc : memref<!tpu.dma_semaphore, #tpu.memory_space<semaphore_mem>>
      %dma_start3A_24 = arith.constant 0 : i32
      %dma_start3A_25 = tpu.memref_slice %arg6[%add3A_18, %dma_start3A_24] : memref<8192x32xf32, #tpu.memory_space<hbm>> -> memref<128x32xf32, #tpu.memory_space<hbm>>
      %dma_start3A_26 = arith.constant 0 : i32
      %dma_start3A_27 = tpu.memref_slice %arg6[%add3A_18, %dma_start3A_26] : memref<8192x32xf32, #tpu.memory_space<hbm>> -> memref<128x32xf32, #tpu.memory_space<hbm>>
      tpu.enqueue_dma source(%arg11 : memref<128x32xf32, #tpu.memory_space<vmem>>) target(%dma_start3A_27 : memref<128x32xf32, #tpu.memory_space<hbm>>) target_semaphore(%run_scoped3A : memref<!tpu.dma_semaphore, #tpu.memory_space<semaphore_mem>>)
      %dma_wait3A_28 = arith.constant 0 : i32
      %dma_wait3A_29 = tpu.memref_slice %arg6[%add3A_18, %dma_wait3A_28] : memref<8192x32xf32, #tpu.memory_space<hbm>> -> memref<128x32xf32, #tpu.memory_space<hbm>>
      %dma_wait3A_30 = arith.constant 0 : i32
      %dma_wait3A_31 = tpu.memref_slice %arg6[%add3A_18, %dma_wait3A_30] : memref<8192x32xf32, #tpu.memory_space<hbm>> -> memref<128x32xf32, #tpu.memory_space<hbm>>
      tpu.wait_dma2 semaphore(%run_scoped3A : memref<!tpu.dma_semaphore, #tpu.memory_space<semaphore_mem>>) src(%arg11 : memref<128x32xf32, #tpu.memory_space<vmem>>) dst(%dma_wait3A_31 : memref<128x32xf32, #tpu.memory_space<hbm>>)
      tpu.yield
    }) : () -> ()
    %barrier3A = arith.constant 0 : index
    tpu.barrier barrier_id(%barrier3A)
    "tpu.region"() ({
      %run_scoped3A = tpu.sem_alloc : memref<!tpu.dma_semaphore, #tpu.memory_space<semaphore_mem>>
      %dma_start3A_24 = arith.constant 0 : i32
      %dma_start3A_25 = arith.constant 0 : i32
      %dma_start3A_26 = tpu.memref_slice %arg14[%dma_start3A_24, %dma_start3A_25] : memref<8192x16xf32, #tpu.memory_space<vmem_shared>> -> memref<8192x16xf32, #tpu.memory_space<vmem_shared>>
      tpu.enqueue_indirect_dma source(%arg12 : memref<128x16xf32, #tpu.memory_space<vmem>>) target(%dma_start3A_26 : memref<8192x16xf32, #tpu.memory_space<vmem_shared>>) offsets(%arg8 : memref<128xi32, #tpu.memory_space<vmem>>) semaphore(%run_scoped3A : memref<!tpu.dma_semaphore, #tpu.memory_space<semaphore_mem>>) {add = true}
      %dma_wait3A_27 = arith.constant 0 : i32
      %dma_wait3A_28 = arith.constant 0 : i32
      %dma_wait3A_29 = tpu.memref_slice %arg14[%dma_wait3A_27, %dma_wait3A_28] : memref<8192x16xf32, #tpu.memory_space<vmem_shared>> -> memref<8192x16xf32, #tpu.memory_space<vmem_shared>>
      tpu.wait_indirect_dma semaphore(%run_scoped3A : memref<!tpu.dma_semaphore, #tpu.memory_space<semaphore_mem>>) src(%arg12 : memref<128x16xf32, #tpu.memory_space<vmem>>) dst(%dma_wait3A_29 : memref<8192x16xf32, #tpu.memory_space<vmem_shared>>)
      tpu.yield
    }) : () -> ()
    "tpu.region"() ({
      %run_scoped3A = tpu.sem_alloc : memref<!tpu.dma_semaphore, #tpu.memory_space<semaphore_mem>>
      %dma_start3A_24 = arith.constant 0 : i32
      %dma_start3A_25 = arith.constant 0 : i32
      %dma_start3A_26 = tpu.memref_slice %arg14[%dma_start3A_24, %dma_start3A_25] : memref<8192x16xf32, #tpu.memory_space<vmem_shared>> -> memref<8192x16xf32, #tpu.memory_space<vmem_shared>>
      tpu.enqueue_indirect_dma source(%arg12 : memref<128x16xf32, #tpu.memory_space<vmem>>) target(%dma_start3A_26 : memref<8192x16xf32, #tpu.memory_space<vmem_shared>>) offsets(%arg9 : memref<128xi32, #tpu.memory_space<vmem>>) semaphore(%run_scoped3A : memref<!tpu.dma_semaphore, #tpu.memory_space<semaphore_mem>>) {add = true}
      %dma_wait3A_27 = arith.constant 0 : i32
      %dma_wait3A_28 = arith.constant 0 : i32
      %dma_wait3A_29 = tpu.memref_slice %arg14[%dma_wait3A_27, %dma_wait3A_28] : memref<8192x16xf32, #tpu.memory_space<vmem_shared>> -> memref<8192x16xf32, #tpu.memory_space<vmem_shared>>
      tpu.wait_indirect_dma semaphore(%run_scoped3A : memref<!tpu.dma_semaphore, #tpu.memory_space<semaphore_mem>>) src(%arg12 : memref<128x16xf32, #tpu.memory_space<vmem>>) dst(%dma_wait3A_29 : memref<8192x16xf32, #tpu.memory_space<vmem_shared>>)
      tpu.yield
    }) : () -> ()
    %barrier3A_19 = arith.constant 0 : index
    tpu.barrier barrier_id(%barrier3A_19)
    %mul3A_20 = arith.constant 512 : i32
    %mul3A_21 = arith.muli %arg1, %mul3A_20 : i32
    "tpu.region"() ({
      %run_scoped3A = tpu.sem_alloc : memref<!tpu.dma_semaphore, #tpu.memory_space<semaphore_mem>>
      %dma_start3A_24 = arith.constant 0 : i32
      %dma_start3A_25 = tpu.memref_slice %arg14[%mul3A_21, %dma_start3A_24] : memref<8192x16xf32, #tpu.memory_space<vmem_shared>> -> memref<512x16xf32, #tpu.memory_space<vmem_shared>>
      %dma_start3A_26 = arith.constant 0 : i32
      %dma_start3A_27 = tpu.memref_slice %arg14[%mul3A_21, %dma_start3A_26] : memref<8192x16xf32, #tpu.memory_space<vmem_shared>> -> memref<512x16xf32, #tpu.memory_space<vmem_shared>>
      tpu.enqueue_dma source(%dma_start3A_27 : memref<512x16xf32, #tpu.memory_space<vmem_shared>>) target(%arg13 : memref<512x16xf32, #tpu.memory_space<vmem>>) target_semaphore(%run_scoped3A : memref<!tpu.dma_semaphore, #tpu.memory_space<semaphore_mem>>)
      %dma_wait3A_28 = arith.constant 0 : i32
      %dma_wait3A_29 = tpu.memref_slice %arg14[%mul3A_21, %dma_wait3A_28] : memref<8192x16xf32, #tpu.memory_space<vmem_shared>> -> memref<512x16xf32, #tpu.memory_space<vmem_shared>>
      %dma_wait3A_30 = arith.constant 0 : i32
      %dma_wait3A_31 = tpu.memref_slice %arg14[%mul3A_21, %dma_wait3A_30] : memref<8192x16xf32, #tpu.memory_space<vmem_shared>> -> memref<512x16xf32, #tpu.memory_space<vmem_shared>>
      tpu.wait_dma2 semaphore(%run_scoped3A : memref<!tpu.dma_semaphore, #tpu.memory_space<semaphore_mem>>) src(%dma_wait3A_31 : memref<512x16xf32, #tpu.memory_space<vmem_shared>>) dst(%arg13 : memref<512x16xf32, #tpu.memory_space<vmem>>)
      tpu.yield
    }) : () -> ()
    %mul3A_22 = arith.constant 512 : i32
    %mul3A_23 = arith.muli %arg1, %mul3A_22 : i32
    "tpu.region"() ({
      %run_scoped3A = tpu.sem_alloc : memref<!tpu.dma_semaphore, #tpu.memory_space<semaphore_mem>>
      %dma_start3A_24 = arith.constant 0 : i32
      %dma_start3A_25 = tpu.memref_slice %arg7[%arg0, %mul3A_23, %dma_start3A_24] : memref<2x8192x16xf32, #tpu.memory_space<hbm>> -> memref<1x512x16xf32, #tpu.memory_space<hbm>>
      %dma_start3A_26 = tpu.memref_squeeze %dma_start3A_25 : memref<1x512x16xf32, #tpu.memory_space<hbm>> -> memref<512x16xf32, #tpu.memory_space<hbm>>
      %dma_start3A_27 = arith.constant 0 : i32
      %dma_start3A_28 = tpu.memref_slice %arg7[%arg0, %mul3A_23, %dma_start3A_27] : memref<2x8192x16xf32, #tpu.memory_space<hbm>> -> memref<1x512x16xf32, #tpu.memory_space<hbm>>
      %dma_start3A_29 = tpu.memref_squeeze %dma_start3A_28 : memref<1x512x16xf32, #tpu.memory_space<hbm>> -> memref<512x16xf32, #tpu.memory_space<hbm>>
      tpu.enqueue_dma source(%arg13 : memref<512x16xf32, #tpu.memory_space<vmem>>) target(%dma_start3A_29 : memref<512x16xf32, #tpu.memory_space<hbm>>) target_semaphore(%run_scoped3A : memref<!tpu.dma_semaphore, #tpu.memory_space<semaphore_mem>>)
      %dma_wait3A_30 = arith.constant 0 : i32
      %dma_wait3A_31 = tpu.memref_slice %arg7[%arg0, %mul3A_23, %dma_wait3A_30] : memref<2x8192x16xf32, #tpu.memory_space<hbm>> -> memref<1x512x16xf32, #tpu.memory_space<hbm>>
      %dma_wait3A_32 = tpu.memref_squeeze %dma_wait3A_31 : memref<1x512x16xf32, #tpu.memory_space<hbm>> -> memref<512x16xf32, #tpu.memory_space<hbm>>
      %dma_wait3A_33 = arith.constant 0 : i32
      %dma_wait3A_34 = tpu.memref_slice %arg7[%arg0, %mul3A_23, %dma_wait3A_33] : memref<2x8192x16xf32, #tpu.memory_space<hbm>> -> memref<1x512x16xf32, #tpu.memory_space<hbm>>
      %dma_wait3A_35 = tpu.memref_squeeze %dma_wait3A_34 : memref<1x512x16xf32, #tpu.memory_space<hbm>> -> memref<512x16xf32, #tpu.memory_space<hbm>>
      tpu.wait_dma2 semaphore(%run_scoped3A : memref<!tpu.dma_semaphore, #tpu.memory_space<semaphore_mem>>) src(%arg13 : memref<512x16xf32, #tpu.memory_space<vmem>>) dst(%dma_wait3A_35 : memref<512x16xf32, #tpu.memory_space<hbm>>)
      tpu.yield
    }) : () -> ()
    return
  }
}

module attributes {stable_mosaic.version = 14 : i64} {
  func.func @_argmin_body(%arg0: i32, %arg1: memref<8192x1xf32, #tpu.memory_space<vmem>>, %arg2: memref<1x1x1024xf32, #tpu.memory_space<vmem>>, %arg3: memref<8192x32xf32, #tpu.memory_space<vmem>>, %arg4: memref<1024x32xf32, #tpu.memory_space<vmem>>, %arg5: memref<1x1x1024xi32, #tpu.memory_space<vmem>>) attributes {dimension_semantics = [#tpu.dimension_semantics<arbitrary>], iteration_bounds = array<i64: 8>, scalar_prefetch = 0 : i64, scratch_operands = 0 : i64, tpu.core_type = #tpu.core_type<tc>, window_params = [{pipeline_mode = #tpu.pipeline_mode<synchronous>, transform_indices = @transform_0, window_bounds = array<i64: 8192, 1>}, {transform_indices = @transform_1, window_bounds = array<i64: 1, 1, 1024>}, {pipeline_mode = #tpu.pipeline_mode<synchronous>, transform_indices = @transform_2, window_bounds = array<i64: 8192, 32>}, {transform_indices = @transform_3, window_bounds = array<i64: 1024, 32>}, {transform_indices = @transform_4, window_bounds = array<i64: 1, 1, 1024>}]} {
    %get3A = arith.constant 0 : index
    %get3A_0 = arith.constant 0 : index
    %get3A_1 = vector.load %arg4[%get3A, %get3A_0] : memref<1024x32xf32, #tpu.memory_space<vmem>>, vector<1024x32xf32>
    %convert_element_type3A = arith.truncf %get3A_1 : vector<1024x32xf32> to vector<1024x32xbf16>
    %iota3A = tpu.iota {dimensions = array<i32: 1>} : vector<8x2048xi32>
    %iota3A_2 = tpu.iota {dimensions = array<i32: 0>} : vector<8x2048xi32>
    %eq3A = arith.constant 0 : i32
    %eq3A_3 = vector.broadcast %eq3A : i32 to vector<8x2048xi32>
    %eq3A_4 = arith.cmpi eq, %iota3A_2, %eq3A_3 : vector<8x2048xi32>
    %and3A = arith.constant 255 : i32
    %and3A_5 = vector.broadcast %and3A : i32 to vector<8x2048xi32>
    %and3A_6 = arith.andi %iota3A, %and3A_5 : vector<8x2048xi32>
    %eq3A_7 = arith.constant 1 : i32
    %eq3A_8 = vector.broadcast %eq3A_7 : i32 to vector<8x2048xi32>
    %eq3A_9 = arith.cmpi eq, %iota3A_2, %eq3A_8 : vector<8x2048xi32>
    %shift_right_arithmetic3A = arith.constant 8 : i32
    %shift_right_arithmetic3A_10 = vector.broadcast %shift_right_arithmetic3A : i32 to vector<8x2048xi32>
    %shift_right_arithmetic3A_11 = arith.shrsi %iota3A, %shift_right_arithmetic3A_10 : vector<8x2048xi32>
    %eq3A_12 = arith.constant 2 : i32
    %eq3A_13 = vector.broadcast %eq3A_12 : i32 to vector<8x2048xi32>
    %eq3A_14 = arith.cmpi eq, %iota3A_2, %eq3A_13 : vector<8x2048xi32>
    %jit3A = arith.constant 1 : i32
    %jit3A_15 = arith.constant 0 : i32
    %broadcast_in_dim3A = vector.broadcast %jit3A : i32 to vector<8x2048xi32>
    %broadcast_in_dim3A_16 = vector.broadcast %jit3A_15 : i32 to vector<8x2048xi32>
    %select_n3A = arith.select %eq3A_14, %broadcast_in_dim3A, %broadcast_in_dim3A_16 : vector<8x2048xi1>, vector<8x2048xi32>
    %select_n3A_17 = arith.select %eq3A_9, %shift_right_arithmetic3A_11, %select_n3A : vector<8x2048xi1>, vector<8x2048xi32>
    %select_n3A_18 = arith.select %eq3A_4, %and3A_6, %select_n3A_17 : vector<8x2048xi1>, vector<8x2048xi32>
    %convert_element_type3A_19 = arith.sitofp %select_n3A_18 : vector<8x2048xi32> to vector<8x2048xf32>
    %broadcast_in_dim3A_20 = arith.constant 0x7F800000 : f32
    %broadcast_in_dim3A_21 = vector.broadcast %broadcast_in_dim3A_20 : f32 to vector<1x1024xf32>
    %broadcast_in_dim3A_22 = arith.constant 0 : i32
    %broadcast_in_dim3A_23 = vector.broadcast %broadcast_in_dim3A_22 : i32 to vector<1x1024xi32>
    %scan3A = arith.constant 0 : i32
    %scan3A_24 = arith.constant 4 : i32
    %scan3A_25 = arith.addi %scan3A, %scan3A_24 : i32
    %scan3A_26 = arith.constant 1 : i32
    %scan3A_27:2 = scf.for %scan3A_32 = %scan3A to %scan3A_25 step %scan3A_26 iter_args(%scan3A_33 = %broadcast_in_dim3A_21, %scan3A_34 = %broadcast_in_dim3A_23) -> (vector<1x1024xf32>, vector<1x1024xi32>)  : i32 {
      %mul3A = arith.constant 2048 : i32
      %mul3A_35 = arith.muli %scan3A_32, %mul3A : i32
      %get3A_36 = arith.index_cast %mul3A_35 : i32 to index
      %get3A_37 = arith.constant 0 : index
      %get3A_38 = vector.load %arg3[%get3A_36, %get3A_37] : memref<8192x32xf32, #tpu.memory_space<vmem>>, vector<2048x32xf32>
      %mul3A_39 = arith.constant 2.000000e+00 : f32
      %mul3A_40 = vector.broadcast %mul3A_39 : f32 to vector<2048x32xf32>
      %mul3A_41 = arith.mulf %get3A_38, %mul3A_40 : vector<2048x32xf32>
      %convert_element_type3A_42 = arith.truncf %mul3A_41 : vector<2048x32xf32> to vector<2048x32xbf16>
      %dot_general3A = arith.constant dense<0.000000e+00> : vector<2048x1024xf32>
      %dot_general3A_43 = tpu.matmul %convert_element_type3A_42, %convert_element_type3A, %dot_general3A {dimension_numbers = #tpu.dot_dimension_numbers<[1], [1], [0], [0], [0, 0, 1, 0], [], []>, transpose_lhs_hint = false} : vector<2048x32xbf16>, vector<1024x32xbf16>, vector<2048x1024xf32> -> vector<2048x1024xf32>
      %mul3A_44 = arith.constant 2048 : i32
      %mul3A_45 = arith.muli %scan3A_32, %mul3A_44 : i32
      %get3A_46 = arith.index_cast %mul3A_45 : i32 to index
      %get3A_47 = arith.constant 0 : index
      %get3A_48 = vector.load %arg1[%get3A_46, %get3A_47] : memref<8192x1xf32, #tpu.memory_space<vmem>>, vector<2048x1xf32>
      %get3A_49 = arith.constant 0 : index
      %get3A_50 = arith.constant 0 : index
      %get3A_51 = arith.constant 0 : index
      %get3A_52 = vector.load %arg2[%get3A_49, %get3A_50, %get3A_51] : memref<1x1x1024xf32, #tpu.memory_space<vmem>>, vector<1x1x1024xf32>
      %get3A_53 = vector.shape_cast %get3A_52 : vector<1x1x1024xf32> to vector<1x1024xf32>
      %add3A = vector.broadcast %get3A_48 : vector<2048x1xf32> to vector<2048x1024xf32>
      %add3A_54 = vector.broadcast %get3A_53 : vector<1x1024xf32> to vector<2048x1024xf32>
      %add3A_55 = arith.addf %add3A, %add3A_54 : vector<2048x1024xf32>
      %sub3A = arith.subf %add3A_55, %dot_general3A_43 : vector<2048x1024xf32>
      %reduce_min3A = arith.constant dense<0x7F800000> : vector<1024xf32>
      %reduce_min3A_56 = vector.multi_reduction <minimumf>, %sub3A, %reduce_min3A [0] : vector<2048x1024xf32> to vector<1024xf32>
      %broadcast_in_dim3A_57 = vector.shape_cast %reduce_min3A_56 : vector<1024xf32> to vector<1x1024xf32>
      %eq3A_58 = vector.broadcast %broadcast_in_dim3A_57 : vector<1x1024xf32> to vector<2048x1024xf32>
      %eq3A_59 = arith.cmpf oeq, %sub3A, %eq3A_58 : vector<2048x1024xf32>
      %convert_element_type3A_60 = arith.extui %eq3A_59 : vector<2048x1024xi1> to vector<2048x1024xi32>
      %convert_element_type3A_61 = arith.sitofp %convert_element_type3A_60 : vector<2048x1024xi32> to vector<2048x1024xf32>
      %dot_general3A_62 = arith.constant dense<0.000000e+00> : vector<8x1024xf32>
      %dot_general3A_63 = tpu.matmul %convert_element_type3A_19, %convert_element_type3A_61, %dot_general3A_62 {dimension_numbers = #tpu.dot_dimension_numbers<[1], [0], [0], [1], [0, 0, 1, 1], [], []>, transpose_lhs_hint = false} : vector<8x2048xf32>, vector<2048x1024xf32>, vector<8x1024xf32> -> vector<8x1024xf32>
      %slice3A = vector.extract_strided_slice %dot_general3A_63 {offsets = [1, 0], sizes = [1, 1024], strides = [1, 1]} : vector<8x1024xf32> to vector<1x1024xf32>
      %mul3A_64 = arith.constant 2.560000e+02 : f32
      %mul3A_65 = vector.broadcast %mul3A_64 : f32 to vector<1x1024xf32>
      %mul3A_66 = arith.mulf %slice3A, %mul3A_65 : vector<1x1024xf32>
      %slice3A_67 = vector.extract_strided_slice %dot_general3A_63 {offsets = [0, 0], sizes = [1, 1024], strides = [1, 1]} : vector<8x1024xf32> to vector<1x1024xf32>
      %add3A_68 = arith.addf %mul3A_66, %slice3A_67 : vector<1x1024xf32>
      %slice3A_69 = vector.extract_strided_slice %dot_general3A_63 {offsets = [2, 0], sizes = [1, 1024], strides = [1, 1]} : vector<8x1024xf32> to vector<1x1024xf32>
      %reduce_max3A = vector.shape_cast %slice3A_69 : vector<1x1024xf32> to vector<1x1x1024xf32>
      %reduce_max3A_70 = arith.constant dense<0xFF800000> : vector<1xf32>
      %reduce_max3A_71 = vector.multi_reduction <maximumf>, %reduce_max3A, %reduce_max3A_70 [1, 2] : vector<1x1x1024xf32> to vector<1xf32>
      %reduce_max3A_72 = vector.shape_cast %reduce_max3A_71 : vector<1xf32> to vector<1x1x1xf32>
      %reduce_max3A_73 = vector.extract %reduce_max3A_72[0, 0, 0] : f32 from vector<1x1x1xf32>
      %gt3A = arith.constant 1.500000e+00 : f32
      %gt3A_74 = arith.cmpf ogt, %reduce_max3A_73, %gt3A : f32
      %convert_element_type3A_75 = arith.extui %gt3A_74 : i1 to i32
      %cond3A = arith.constant 0 : i32
      %cond3A_76 = arith.cmpi ne, %convert_element_type3A_75, %cond3A : i32
      %cond3A_77 = scf.if %cond3A_76 -> (vector<1x1024xf32>) {
        %iota3A_87 = tpu.iota {dimensions = array<i32: 0>} : vector<2048x1024xi32>
        %convert_element_type3A_88 = arith.sitofp %iota3A_87 : vector<2048x1024xi32> to vector<2048x1024xf32>
        %eq3A_89 = vector.broadcast %broadcast_in_dim3A_57 : vector<1x1024xf32> to vector<2048x1024xf32>
        %eq3A_90 = arith.cmpf oeq, %sub3A, %eq3A_89 : vector<2048x1024xf32>
        %jit3A_91 = arith.constant 0x7F800000 : f32
        %broadcast_in_dim3A_92 = vector.broadcast %jit3A_91 : f32 to vector<2048x1024xf32>
        %select_n3A_93 = arith.select %eq3A_90, %convert_element_type3A_88, %broadcast_in_dim3A_92 : vector<2048x1024xi1>, vector<2048x1024xf32>
        %reduce_min3A_94 = arith.constant dense<0x7F800000> : vector<1024xf32>
        %reduce_min3A_95 = vector.multi_reduction <minimumf>, %select_n3A_93, %reduce_min3A_94 [0] : vector<2048x1024xf32> to vector<1024xf32>
        %broadcast_in_dim3A_96 = vector.shape_cast %reduce_min3A_95 : vector<1024xf32> to vector<1x1024xf32>
        scf.yield %broadcast_in_dim3A_96 : vector<1x1024xf32>
      } else {
        scf.yield %add3A_68 : vector<1x1024xf32>
      }
      %convert_element_type3A_78 = arith.fptosi %cond3A_77 : vector<1x1024xf32> to vector<1x1024xi32>
      %mul3A_79 = arith.constant 2048 : i32
      %mul3A_80 = arith.muli %scan3A_32, %mul3A_79 : i32
      %add3A_81 = vector.broadcast %mul3A_80 : i32 to vector<1x1024xi32>
      %add3A_82 = arith.addi %convert_element_type3A_78, %add3A_81 : vector<1x1024xi32>
      %le3A = arith.cmpf ole, %scan3A_33, %broadcast_in_dim3A_57 : vector<1x1024xf32>
      %select_n3A_83 = arith.select %le3A, %scan3A_33, %broadcast_in_dim3A_57 : vector<1x1024xi1>, vector<1x1024xf32>
      %select_n3A_84 = arith.select %le3A, %scan3A_34, %add3A_82 : vector<1x1024xi1>, vector<1x1024xi32>
      %convert_element_type3A_85 = arith.truncf %select_n3A_83 : vector<1x1024xf32> to vector<1x1024xbf16>
      %convert_element_type3A_86 = arith.extf %convert_element_type3A_85 : vector<1x1024xbf16> to vector<1x1024xf32>
      scf.yield %convert_element_type3A_86, %select_n3A_84 : vector<1x1024xf32>, vector<1x1024xi32>
    }
    %scan3A_28 = arith.constant 4 : i32
    %reshape3A = vector.shape_cast %scan3A_27#1 : vector<1x1024xi32> to vector<1x1x1024xi32>
    %swap3A = arith.constant 0 : index
    %swap3A_29 = arith.constant 0 : index
    %swap3A_30 = arith.constant 0 : index
    %swap3A_31 = vector.load %arg5[%swap3A, %swap3A_29, %swap3A_30] : memref<1x1x1024xi32, #tpu.memory_space<vmem>>, vector<1x1x1024xi32>
    tpu.vector_store %arg5[%swap3A, %swap3A_29, %swap3A_30], %reshape3A {strides = array<i32>} : memref<1x1x1024xi32, #tpu.memory_space<vmem>>, vector<1x1x1024xi32>,
    return
  }
  func.func @transform_0(%arg0: i32) -> (i32, i32) {
    %c0_i32 = arith.constant 0 : i32
    %c0_i32_0 = arith.constant 0 : i32
    %c0_i32_1 = arith.constant 0 : i32
    return %c0_i32, %c0_i32_0 : i32, i32
  }
  func.func @transform_1(%arg0: i32) -> (i32, i32, i32) {
    %c0_i32 = arith.constant 0 : i32
    %c0_i32_0 = arith.constant 0 : i32
    %c0_i32_1 = arith.constant 0 : i32
    return %arg0, %c0_i32, %c0_i32_0 : i32, i32, i32
  }
  func.func @transform_2(%arg0: i32) -> (i32, i32) {
    %c0_i32 = arith.constant 0 : i32
    %c0_i32_0 = arith.constant 0 : i32
    %c0_i32_1 = arith.constant 0 : i32
    return %c0_i32, %c0_i32_0 : i32, i32
  }
  func.func @transform_3(%arg0: i32) -> (i32, i32) {
    %c0_i32 = arith.constant 0 : i32
    %c0_i32_0 = arith.constant 0 : i32
    return %arg0, %c0_i32 : i32, i32
  }
  func.func @transform_4(%arg0: i32) -> (i32, i32, i32) {
    %c0_i32 = arith.constant 0 : i32
    %c0_i32_0 = arith.constant 0 : i32
    %c0_i32_1 = arith.constant 0 : i32
    return %arg0, %c0_i32, %c0_i32_0 : i32, i32, i32
  }
}

module attributes {stable_mosaic.version = 14 : i64} {
  func.func @_epi_body(%arg0: memref<8192x32xf32, #tpu.memory_space<vmem>>, %arg1: memref<8192x32xf32, #tpu.memory_space<vmem>>, %arg2: memref<2x1024x128xf32, #tpu.memory_space<vmem>>, %arg3: memref<8192x32xf32, #tpu.memory_space<vmem>>, %arg4: memref<1x1xf32, #tpu.memory_space<vmem>>, %arg5: memref<1x1xf32, #tpu.memory_space<vmem>>) attributes {dimension_semantics = [], scalar_prefetch = 0 : i64, scratch_operands = 0 : i64, tpu.core_type = #tpu.core_type<tc>} {
    %get3A = arith.constant 0 : index
    %get3A_0 = arith.constant 0 : index
    %get3A_1 = vector.load %arg0[%get3A, %get3A_0] : memref<8192x32xf32, #tpu.memory_space<vmem>>, vector<8192x32xf32>
    %get3A_2 = arith.constant 0 : index
    %get3A_3 = arith.constant 0 : index
    %get3A_4 = vector.load %arg1[%get3A_2, %get3A_3] : memref<8192x32xf32, #tpu.memory_space<vmem>>, vector<8192x32xf32>
    %sub3A = arith.subf %get3A_4, %get3A_1 : vector<8192x32xf32>
    %add3A = arith.addf %get3A_1, %sub3A : vector<8192x32xf32>
    %swap3A = arith.constant 0 : index
    %swap3A_5 = arith.constant 0 : index
    %swap3A_6 = vector.load %arg3[%swap3A, %swap3A_5] : memref<8192x32xf32, #tpu.memory_space<vmem>>, vector<8192x32xf32>
    tpu.vector_store %arg3[%swap3A, %swap3A_5], %add3A {strides = array<i32>} : memref<8192x32xf32, #tpu.memory_space<vmem>>, vector<8192x32xf32>,
    %mul3A = arith.mulf %sub3A, %sub3A : vector<8192x32xf32>
    %reduce_sum3A = vector.shape_cast %mul3A : vector<8192x32xf32> to vector<1x8192x32xf32>
    %reduce_sum3A_7 = arith.constant dense<0.000000e+00> : vector<1xf32>
    %reduce_sum3A_8 = vector.multi_reduction <add>, %reduce_sum3A, %reduce_sum3A_7 [1, 2] : vector<1x8192x32xf32> to vector<1xf32>
    %reduce_sum3A_9 = vector.shape_cast %reduce_sum3A_8 : vector<1xf32> to vector<1x1x1xf32>
    %reduce_sum3A_10 = vector.extract %reduce_sum3A_9[0, 0, 0] : f32 from vector<1x1x1xf32>
    %div3A = arith.constant 2.621440e+05 : f32
    %div3A_11 = arith.divf %reduce_sum3A_10, %div3A : f32
    %mul3A_12 = arith.constant 2.500000e-01 : f32
    %mul3A_13 = arith.mulf %mul3A_12, %div3A_11 : f32
    %add3A_14 = arith.addf %mul3A_13, %div3A_11 : f32
    %reshape3A = vector.broadcast %add3A_14 : f32 to vector<1x1xf32>
    %swap3A_15 = arith.constant 0 : index
    %swap3A_16 = arith.constant 0 : index
    %swap3A_17 = vector.load %arg4[%swap3A_15, %swap3A_16] : memref<1x1xf32, #tpu.memory_space<vmem>>, vector<1x1xf32>
    tpu.vector_store %arg4[%swap3A_15, %swap3A_16], %reshape3A {strides = array<i32>} : memref<1x1xf32, #tpu.memory_space<vmem>>, vector<1x1xf32>,
    %get3A_18 = arith.constant 0 : index
    %get3A_19 = arith.constant 0 : index
    %get3A_20 = arith.constant 0 : index
    %get3A_21 = vector.load %arg2[%get3A_18, %get3A_19, %get3A_20] : memref<2x1024x128xf32, #tpu.memory_space<vmem>>, vector<1x1024x128xf32>
    %get3A_22 = vector.shape_cast %get3A_21 : vector<1x1024x128xf32> to vector<1024x128xf32>
    %get3A_23 = arith.constant 1 : index
    %get3A_24 = arith.constant 0 : index
    %get3A_25 = arith.constant 0 : index
    %get3A_26 = vector.load %arg2[%get3A_23, %get3A_24, %get3A_25] : memref<2x1024x128xf32, #tpu.memory_space<vmem>>, vector<1x1024x128xf32>
    %get3A_27 = vector.shape_cast %get3A_26 : vector<1x1024x128xf32> to vector<1024x128xf32>
    %add3A_28 = arith.addf %get3A_22, %get3A_27 : vector<1024x128xf32>
    %mul3A_29 = arith.constant 1.22070313E-4 : f32
    %mul3A_30 = vector.broadcast %mul3A_29 : f32 to vector<1024x128xf32>
    %mul3A_31 = arith.mulf %add3A_28, %mul3A_30 : vector<1024x128xf32>
    %add3A_32 = arith.constant 9.99999993E-9 : f32
    %add3A_33 = vector.broadcast %add3A_32 : f32 to vector<1024x128xf32>
    %add3A_34 = arith.addf %mul3A_31, %add3A_33 : vector<1024x128xf32>
    %log3A = math.log %add3A_34 : vector<1024x128xf32>
    %mul3A_35 = arith.mulf %mul3A_31, %log3A : vector<1024x128xf32>
    %iota3A = tpu.iota {dimensions = array<i32: 1>} : vector<1024x128xi32>
    %and3A = arith.constant 15 : i32
    %and3A_36 = vector.broadcast %and3A : i32 to vector<1024x128xi32>
    %and3A_37 = arith.andi %iota3A, %and3A_36 : vector<1024x128xi32>
    %eq3A = arith.constant 0 : i32
    %eq3A_38 = vector.broadcast %eq3A : i32 to vector<1024x128xi32>
    %eq3A_39 = arith.cmpi eq, %and3A_37, %eq3A_38 : vector<1024x128xi32>
    %jit3A = arith.constant 0.000000e+00 : f32
    %broadcast_in_dim3A = vector.broadcast %jit3A : f32 to vector<1024x128xf32>
    %select_n3A = arith.select %eq3A_39, %mul3A_35, %broadcast_in_dim3A : vector<1024x128xi1>, vector<1024x128xf32>
    %reduce_sum3A_40 = vector.shape_cast %select_n3A : vector<1024x128xf32> to vector<1x1024x128xf32>
    %reduce_sum3A_41 = arith.constant dense<0.000000e+00> : vector<1xf32>
    %reduce_sum3A_42 = vector.multi_reduction <add>, %reduce_sum3A_40, %reduce_sum3A_41 [1, 2] : vector<1x1024x128xf32> to vector<1xf32>
    %reduce_sum3A_43 = vector.shape_cast %reduce_sum3A_42 : vector<1xf32> to vector<1x1x1xf32>
    %reduce_sum3A_44 = vector.extract %reduce_sum3A_43[0, 0, 0] : f32 from vector<1x1x1xf32>
    %neg3A = arith.constant 0.000000e+00 : f32
    %neg3A_45 = arith.subf %neg3A, %reduce_sum3A_44 : f32
    %exp3A = math.exp %neg3A_45 : f32
    %reshape3A_46 = vector.broadcast %exp3A : f32 to vector<1x1xf32>
    %swap3A_47 = arith.constant 0 : index
    %swap3A_48 = arith.constant 0 : index
    %swap3A_49 = vector.load %arg5[%swap3A_47, %swap3A_48] : memref<1x1xf32, #tpu.memory_space<vmem>>, vector<1x1xf32>
    tpu.vector_store %arg5[%swap3A_47, %swap3A_48], %reshape3A_46 {strides = array<i32>} : memref<1x1xf32, #tpu.memory_space<vmem>>, vector<1x1xf32>,
    return
  }
}

</mosaic_0001>

<sc_bundles>
// kernel: kernel.5.cloned.1.call-start
scs
__scs_entry_jumppad:
0x0: {  	(pc) =	sbr.rel $0x88, $3  }
0x1: {  	(tag) =	ssettag $0x0;
	lr =	simm.s32 $0x1  }
0x2: {  	[smem:$0x3F9F] =	sst lr;
	_ =	strace $0xD0000000  }
0x3: {  	_ = 	snop  }
0x4: {  	_ = 	snop  }
0x5: {  	_ = 	snop  }
0x6: {  	_ = 	snop  }
0x7: {  	_ = 	snop  }
__scs_overlays_trampoline_lowered:
0x8: {  	[smem:$0x3FAE] =	sst s0  }
0x9: {  	[smem:$0x3FAF] =	sst s1  }
0xa: {  	[smem:$0x3FB0] =	sst s2  }
0xb: {  	[smem:$0x3FB1] =	sst s3  }
0xc: {  	[smem:$0x3FB2] =	sst s4  }
0xd: {  	[smem:$0x3FB3] =	sst s5  }
0xe: {  	[smem:$0x3FB4] =	sst s6  }
0xf: {  	[smem:$0x3FB5] =	sst s7  }
0x10: {  	[smem:$0x3FB6] =	sst s8  }
0x11: {  	[smem:$0x3FB7] =	sst s9;
	s0 =	simm.s32 @!p0 $0x0  }
0x12: {  	s1 =	sld [smem:$0x3F9D];
	s0 =	simm.s32 @p0 $0x1  }
0x13: {  	[smem:$0x3FB8] =	sst s0;
	s0 =	simm.s32 @!p1 $0x0  }
0x14: {  	s2 =	sld [smem:$0x3F9C];
	s0 =	simm.s32 @p1 $0x1  }
0x15: {  	[smem:$0x3FB9] =	sst s0;
	s0 =	simm.s32 @!p2 $0x0  }
0x16: {  	s3 =	sld [smem:$0x3FDB];
	s0 =	simm.s32 @p2 $0x1  }
0x17: {  	s4 =	simm.s32 $0x1BF5;
	[smem:$0x3FBB] =	sst s0  }
0x18: {  	s0 =	sld [smem:$0x3F9E];
	_ =	swait.ge [sflag:s4], $0x0  }
0x19: {  	s7 =	sld [smem:$0x3F9F]  }
0x1a: {  	s8 =	sadd.s32 $0xFFFFE003, lr  }
0x1b: {  	s9 =	sadd.s32 $0xFFFFFEF7, lr;
	s5 =	simm.s32 $0xFFFFFFFF;
	p2 =	slt.u32 s8, $0xFFFFF086  }
0x1c: {  	p1 =	slt.u32 s9, $0xF7A;
	s5 =	simm.s32 @!p2 $0x0  }
0x1d: {  	s5 =	simm.s32 @p1 $0x1;
	p0 =	seq.s32 s7, s2  }
0x1e: {  	s7 =	smul.u32 @!p0 $0xF7A, s2;
	p2 =	seq.s32 @!p0 s5, $0x0  }
0x1f: {  	s9 =	smul.u32 $0xF7A, s1;
	s8 =	simm.s32 @!p0 $0x1BF5;
	p2 =	por !p2, p0  }
0x20: {  	[sflag:s8] =	ssyncset.s32 @!p0 $0xFFFFF086;
	s6 =	sadd.s32 @!p0 s3, s7;
	s7 =	simm.s32 @!p0 $0x108  }
0x21: {  	s3 =	sadd.s32 s3, s9;
	s6 =	sadd.s32 @!p0 $0x88, s6;
	s7 =	simm.s32 @p2 $0x1082  }
0x22: {  	[simem:s7], [sflag:s8] =	dma.local @!p0 [hbm:s6], $0xF7A  }
0x23: {  	s9 =	sor.u32 $0xD0000000, s2;
	s6 =	simm.s32 $0x108;
	_ =	swait.ge @!p0 [sflag:s8], $0x0  }
0x24: {  	s3 =	sadd.s32 $0x88, s3;
	s6 =	simm.s32 @!p1 $0x1082;
	[sflag:s4] =	ssyncset.s32 $0xFFFFF086  }
0x25: {  	[simem:s6], [sflag:s4] =	dma.local [hbm:s3], $0xF7A  }
0x26: {  	[smem:$0x3F9F] =	sst s1;
	(tag) =	ssettag s2;
	_ =	strace s9  }
0x27: {  	s1 =	sld [smem:$0x3FAF]  }
0x28: {  	s2 =	sld [smem:$0x3FB0]  }
0x29: {  	s4 =	sld [smem:$0x3FB2]  }
0x2a: {  	p0 =	seq.s32 s5, $0x0;
	s5 =	sld [smem:$0x3FB3]  }
0x2b: {  	s6 =	sld [smem:$0x3FB4]  }
0x2c: {  	s7 =	sld [smem:$0x3FB5]  }
0x2d: {  	s3 =	simm.s32 $0x108;
	s8 =	sld [smem:$0x3FB6]  }
0x2e: {  	s3 =	simm.s32 @!p0 $0x1082;
	s9 =	sld [smem:$0x3FB7]  }
0x2f: {  	lr =	sadd.s32 s0, s3;
	s0 =	sld [smem:$0x3FAE]  }
0x30: {  	s3 =	sld [smem:$0x3FB1]  }
0x31: {  	[smem:$0x3FBA] =	sst s10  }
0x32: {  	s10 =	sld [smem:$0x3FB8];
	_ =	sdelay $0x3  }
0x33: {  	p0 =	seq.s32 s10, $0x1;
	s10 =	sld [smem:$0x3FBA];
	_ =	sdelay $0x3  }
0x34: {  	[smem:$0x3FBA] =	sst s10  }
0x35: {  	s10 =	sld [smem:$0x3FB9];
	_ =	sdelay $0x3  }
0x36: {  	p1 =	seq.s32 s10, $0x1;
	s10 =	sld [smem:$0x3FBA];
	_ =	sdelay $0x3  }
0x37: {  	[smem:$0x3FBA] =	sst s10  }
0x38: {  	s10 =	sld [smem:$0x3FBB]  }
0x39: {  	_ = 	snop;
	(pc) =	sbr.ind lr, $3  }
0x3a: {  	_ = 	snop  }
0x3b: {  	_ = 	snop  }
0x3c: {  	p2 =	seq.s32 s10, $0x1;
	s10 =	sld [smem:$0x3FBA]  }
0x3d: {  	_ =	shalt  }
0x3e: {  	_ =	shalt  }
0x3f: {  	_ =	shalt  }
0x40: {  	_ =	shalt  }
0x41: {  	_ =	shalt  }
0x42: {  	_ =	shalt  }
0x43: {  	_ =	shalt  }
0x44: {  	_ =	shalt  }
0x45: {  	_ =	shalt  }
0x46: {  	_ =	shalt  }
0x47: {  	_ =	shalt  }
0x48: {  	_ =	shalt  }
0x49: {  	_ =	shalt  }
0x4a: {  	_ =	shalt  }
0x4b: {  	_ =	shalt  }
0x4c: {  	_ =	shalt  }
0x4d: {  	_ =	shalt  }
0x4e: {  	_ =	shalt  }
0x4f: {  	_ =	shalt  }
0x50: {  	_ =	shalt  }
0x51: {  	_ =	shalt  }
0x52: {  	_ =	shalt  }
0x53: {  	_ =	shalt  }
0x54: {  	_ =	shalt  }
0x55: {  	_ =	shalt  }
0x56: {  	_ =	shalt  }
0x57: {  	_ =	shalt  }
0x58: {  	_ =	shalt  }
0x59: {  	_ =	shalt  }
0x5a: {  	_ =	shalt  }
0x5b: {  	_ =	shalt  }
0x5c: {  	_ =	shalt  }
0x5d: {  	_ =	shalt  }
0x5e: {  	_ =	shalt  }
0x5f: {  	_ =	shalt  }
0x60: {  	_ =	shalt  }
0x61: {  	_ =	shalt  }
0x62: {  	_ =	shalt  }
0x63: {  	_ =	shalt  }
0x64: {  	_ =	shalt  }
0x65: {  	_ =	shalt  }
0x66: {  	_ =	shalt  }
0x67: {  	_ =	shalt  }
0x68: {  	_ =	shalt  }
0x69: {  	_ =	shalt  }
0x6a: {  	_ =	shalt  }
0x6b: {  	_ =	shalt  }
0x6c: {  	_ =	shalt  }
0x6d: {  	_ =	shalt  }
0x6e: {  	_ =	shalt  }
0x6f: {  	_ =	shalt  }
0x70: {  	_ =	shalt  }
0x71: {  	_ =	shalt  }
0x72: {  	_ =	shalt  }
0x73: {  	_ =	shalt  }
0x74: {  	_ =	shalt  }
0x75: {  	_ =	shalt  }
0x76: {  	_ =	shalt  }
0x77: {  	_ =	shalt  }
0x78: {  	_ =	shalt  }
0x79: {  	_ =	shalt  }
0x7a: {  	_ =	shalt  }
0x7b: {  	_ =	shalt  }
0x7c: {  	_ =	shalt  }
0x7d: {  	_ =	shalt  }
0x7e: {  	_ =	shalt  }
0x7f: {  	_ =	shalt  }
0x80: {  	_ =	shalt  }
0x81: {  	_ =	shalt  }
0x82: {  	_ =	shalt  }
0x83: {  	_ =	shalt  }
0x84: {  	_ =	shalt  }
0x85: {  	_ =	shalt  }
0x86: {  	_ =	shalt  }
0x87: {  	_ =	shalt  }
.Lfunc_end0:
.L_simem_size_0:
called_computation_lowered:
.L_overlay_start_0:
0x88: {  	s2 =	sld [smem:$0x3FD9]  }
0x89: {  	s3 =	sld [smem:$0x3FFE];
	_ =	sdelay $0x1  }
0x8a: {  	s1 =	srdreg.scid  }
0x8b: {  	s0 =	sand.u32 $0x1, s1  }
0x8c: {  	s14 =	sshll.u32 s0, $0xA;
	s2 =	sadd.s32 s3, s2  }
0x8d: {  	s2 =	sadd.s32 s2, s14  }
0x8e: {  	[smem:$0x3FC6] =	sst s2  }
0x8f: {  	_ = 	snop  }
0x90: {  	s2 =	sld [smem:$0x3FD0];
	_ =	sdelay $0x2  }
0x91: {  	s15 =	simm.s32 $0xA;
	s4 =	simm.s32 $0x10  }
0x92: {  	[smem:s4], [sflag:s15] =	dma.local [hbm:s2], $0x1  }
0x93: {  	_ =	swait.eq [sflag:s15], $0x1  }
0x94: {  	[sflag:s15] =	ssyncset.done $0x0  }
0x95: {  	[sflag:s15] =	ssyncadd.s32 $0xFFFFFFFF  }
0x96: {  	s16 =	sld [smem:$0x10];
	(tm) =	ssettm $0x1  }
0x97: {  	s17 =	sld [smem:$0x3FFB];
	_ =	sdelay $0x3  }
0x98: {  	_ =	strace s17  }
0x99: {  	s3 =	sld [smem:$0x3FFC];
	_ =	sdelay $0x3  }
0x9a: {  	_ =	strace s3  }
0x9b: {  	s3 =	sld [smem:$0x3FFD];
	_ =	sdelay $0x3  }
0x9c: {  	_ =	strace s3  }
0x9d: {  	_ =	strace $0x8FFFFFFF  }
0x9e: {  	s18 =	sld [smem:$0x3FDB];
	_ =	sdelay $0x1  }
0x9f: {  	s19 =	simm.s32 $_scs_section_size  }
0xa0: {  	s5 =	simm.s32 $_size__tile_overlayer_lowered;
	s6 =	simm.s32 $_tile_overlayer_lowered  }
0xa1: {  	s22 =	simm.s32 $0x1BFF;
	s21 =	sshll.u32 s6, $0x1;
	s3 =	sadd.s32 s19, s18  }
0xa2: {  	s7 =	simm.s32 $0x0;
	s20 =	sshll.u32 s5, $0x1;
	s5 =	sadd.s32 s21, s3  }
0xa3: {  	[timem:s7], [sflag:s22] =	dma.local [hbm:s5], s20  }
0xa4: {  	_ =	swait.ge [sflag:s22], s20  }
0xa5: {  	s4 =	ssub.s32 $0x0, s20;
	[sflag:s22] =	ssyncset.done $0x0  }
0xa6: {  	[sflag:s22] =	ssyncadd.s32 s4;
	_ =	sdelay $0x1  }
0xa7: {  	s23 =	simm.s32 $0x1B8B  }
0xa8: {  	_ =	swait.ge [sflag:s23], $0x1  }
0xa9: {  	[sflag:s23] =	ssyncset.done $0x0  }
0xaa: {  	s25 =	simm.s32 $0x1B8E;
	s24 =	sld [smem:$0x3FFE];
	[sflag:s23] =	ssyncadd.s32 $0xFFFFFFFF  }
0xab: {  	s26 =	simm.s32 $execute0_lowered;
	[smem:$0x3FD2] =	sst s25  }
0xac: {  	s5 =	sshll.u32 s26, $0x1;
	_ =	strace $0x80000046;
	[dreg:$0x1] =	wrdreg $0xFFFFFFFF  }
0xad: {  	s28 =	simm.s32 $_size_execute0_lowered;
	s3 =	sadd.s32 s3, s5;
	[dreg:$0x0] =	wrdreg $0x0  }
0xae: {  	s5 =	sshll.u32 s28, $0x1;
	[dreg:$0x2] =	wrdreg s3  }
0xaf: {  	[dreg:$0x3] =	wrdreg s5  }
0xb0: {  	[dreg:$0x4] =	wrdreg $0xC0  }
0xb1: {  	_ =	task [dreg:s7], $0x5FFFF  }
0xb2: {  	[dreg:$0x1] =	wrdreg $0xFFFFFFFF  }
0xb3: {  	[dreg:$0x0] =	wrdreg $0x60  }
0xb4: {  	[dreg:$0x2] =	wrdreg s16  }
0xb5: {  	[dreg:$0x3] =	wrdreg s24  }
0xb6: {  	[dreg:$0x4] =	wrdreg $0x49000  }
0xb7: {  	[dreg:$0x5] =	wrdreg $0x9  }
0xb8: {  	_ =	task.clear_ibuf [dreg:s7], $0x6FFFF;
	_ =	strace $0x90000046  }
0xb9: {  	s29 =	simm.s32 $0x9;
	_ =	strace $0x80000048  }
0xba: {  	_ =	swait.ge [sflag:s29], $0x1  }
0xbb: {  	[sflag:s29] =	ssyncadd.s32 $0xFFFFFFFF  }
0xbc: {  	_ =	strace $0x90000048  }
0xbd: {  	_ =	sfence  }
0xbe: {  	s30 =	sld [smem:$0x0];
	_ =	sdelay $0x2  }
0xbf: {  	s31 =	sshll.u32 s1, $0xD;
	s1 =	sshrl.u32 s1, $0x2  }
0xc0: {  	s3 =	sand.u32 $0x4000, s31;
	s1 =	sadd.s32 s1, s30  }
0xc1: {  	s0 =	sor.u32 s3, s0;
	s1 =	sshll.u32 s1, $0x11  }
0xc2: {  	s0 =	sor.u32 s1, s0  }
0xc3: {  	s0 =	sadd.s32 $0x8F2B, s0  }
0xc4: {  	[sflag:s0] =	ssyncadd.remote.s32 $0x1  }
0xc5: {  	_ =	sfence.sel $0xFFFF  }
0xc6: {  	[dreg:$0x0] =	wrdreg $0xFFFFFFFF;
	(pc) =	sbr.abs _section_cstart, $3  }
0xc7: {  	[dreg:$0x1] =	wrdreg $0xFFFFFFFF  }
0xc8: {  	_ =	task.clear_ibuf [dreg:s7], $0x2FFFF;
	_ =	strace $0x9FFFFFFF  }
0xc9: {  	(tm) =	ssettm $0x7FFFFFFF  }
tec
execute0_lowered:
.L_overlay_start_1:
0x0: {  	(tag) =	ssettag $0x1  }
0x1: {  	s0 =	rddreg [dreg:$0x0];
	s1 =	srdreg.scid  }
0x2: {  	s22 =	rddreg [dreg:$0x1];
	s21 =	stileid.u32;
	s20 =	sand.u32 $0x1, s1  }
0x3: {  	s2 =	rddreg [dreg:$0x2];
	s4 =	sshll.u32 s21, $0x9;
	s5 =	sshll.u32 s20, $0x8  }
0x4: {  	s3 =	simm.s32 $0x0;
	s1 =	rddreg [dreg:$0x3];
	s18 =	sor.u32 s5, s4  }
0x5: {  	[smem:$0x7FF] =	sst s3;
	s6 =	sadd.s32 $0x800, s22;
	s4 =	sshrl.u32 s18, $0x3  }
0x6: {  	_ =	strace $0x80000047;
	s5 =	sadd.s32 s6, s4;
	s4 =	simm.s32 $0x3  }
0x7: {  	[tilespmem:s3], [sflag:$0x3] =	stream.linear.gather [hbm4b:s5+s3], $0x80, $0x38;
	[tilespmem:$0x6900] =	vst v63  }
0x8: {  	s19 =	sor.u32 $0x80, s18;
	_ =	swait.ge [sflag:s4], $0x80  }
0x9: {  	s7 =	sshrl.u32 s19, $0x3;
	[sflag:s4] =	ssyncset.done $0x0  }
0xa: {  	s6 =	sadd.s32 s6, s7;
	s7 =	simm.s32 $0x80;
	[sflag:s4] =	ssyncadd.s32 $0xFFFFFF80  }
0xb: {  	[tilespmem:s7], [sflag:$0x3] =	stream.linear.gather [hbm4b:s6+s3], $0x80, $0x38;
	[tilespmem:$0x6900] =	vst v63  }
0xc: {  	_ =	swait.ge [sflag:s4], $0x80  }
0xd: {  	s9 =	simm.s32 $0x100;
	s10 =	simm.s32 $0x1100;
	[sflag:s4] =	ssyncset.done $0x0  }
0xe: {  	s8 =	sadd.s32 $0xC00, s22;
	p0 =	sne.s32 s21, $0x0;
	[sflag:s4] =	ssyncadd.s32 $0xFFFFFF80  }
0xf: {  	[tilespmem:s9], [sflag:$0x1] =	stream.indirect.gather [hbm4b:s0+s7], $0x20, s3, s7, $0xb8;
	[tilespmem:$0x6900] =	vst v63  }
0x10: {  	s11 =	sshrl.u32 @!p0 s2, $0x3;
	s12 =	simm.s32 @!p0 $0x1C03;
	s13 =	simm.s32 @!p0 $0x3  }
0x11: {  	[tilespmem:s10], [sflag:$0x2] =	stream.indirect.gather [hbm4b:s0+s7], $0x20, s7, s7, $0xb8;
	[tilespmem:$0x6900] =	vst v63  }
0x12: {  	[spmem:s11], [sflag:s12] =	dma.local @!p0 [hbm:s8], $0x4000  }
0x13: {  	_ =	swait.ge @!p0 [sflag:s13], $0x4000  }
0x14: {  	[sflag:s13] =	ssyncset.done @!p0 $0x0  }
0x15: {  	s15 =	simm.s32 $0x2100;
	s14 =	sadd.s32 $0x4C00, s22;
	[sflag:s13] =	ssyncadd.s32 @!p0 $0xFFFFC000  }
0x16: {  	[tilespmem:s15], [sflag:$0x3] =	stream.linear.gather [hbm4b:s14+s3], $0x800, $0x38;
	[tilespmem:$0x6900] =	vst v63  }
0x17: {  	_ =	swait.ge [sflag:s4], $0x800  }
0x18: {  	[sflag:s4] =	ssyncset.done $0x0  }
0x19: {  	s16 =	simm.s32 $0x1;
	[sflag:s4] =	ssyncadd.s32 $0xFFFFF800  }
0x1a: {  	_ =	swait.ge [sflag:s16], $0x1000  }
0x1b: {  	[sflag:s16] =	ssyncset.done $0x0  }
0x1c: {  	s17 =	simm.s32 $0x2;
	[sflag:s16] =	ssyncadd.s32 $0xFFFFF000  }
0x1d: {  	_ =	swait.ge [sflag:s17], $0x1000  }
0x1e: {  	s23 =	sadd.s32 $0x4E00, s22;
	s18 =	sshll.u32 s18, $0x2;
	[sflag:s17] =	ssyncset.done $0x0  }
0x1f: {  	s18 =	sadd.s32 s23, s18;
	[sflag:s17] =	ssyncadd.s32 $0xFFFFF000  }
0x20: {  	[hbm4b:s18+s3] =	stream.linear.scatter [tilespmem:s9], [sflag:$0x3], $0x1000, $0x38;
	[tilespmem:$0x6900] =	vst v63  }
0x21: {  	_ =	swait.ge [sflag:s4], $0x1000  }
0x22: {  	s19 =	sshll.u32 s19, $0x2;
	[sflag:s4] =	ssyncset.done $0x0  }
0x23: {  	s19 =	sadd.s32 s23, s19;
	[sflag:s4] =	ssyncadd.s32 $0xFFFFF000  }
0x24: {  	[hbm4b:s19+s3] =	stream.linear.scatter [tilespmem:s10], [sflag:$0x3], $0x1000, $0x38;
	[tilespmem:$0x6900] =	vst v63  }
0x25: {  	_ =	swait.ge [sflag:s4], $0x1000  }
0x26: {  	[sflag:s4] =	ssyncset.done $0x0  }
0x27: {  	[sflag:s4] =	ssyncadd.s32 $0xFFFFF000  }
0x28: {  	[bflag:$0x0] =	sbarrier.arrive $0xFFFF  }
0x29: {  	[spmem:s2] =	stream.indirect.scatter.add.f32 [tilespmem:s15], [sflag:$0x3], $0x10, s3, s7, $0xb8;
	[tilespmem:$0x6900] =	vst v63  }
0x2a: {  	_ =	swait.ge [sflag:s4], $0x800  }
0x2b: {  	s21 =	sshll.u32 s21, $0xD;
	s24 =	ssub.s32 $0x2, s20;
	[sflag:s4] =	ssyncset.done $0x0  }
0x2c: {  	s30 =	sshll.u32 s20, $0x11;
	s25 =	sshrl.u32 s24, $0x1;
	[sflag:s4] =	ssyncadd.s32 $0xFFFFF800  }
0x2d: {  	[spmem:s2] =	stream.indirect.scatter.add.f32 [tilespmem:s15], [sflag:$0x3], $0x10, s7, s7, $0xb8;
	[tilespmem:$0x6900] =	vst v63  }
0x2e: {  	s20 =	sadd.s32 s21, s2;
	s24 =	ssub.s32 s24, s25;
	_ =	swait.ge [sflag:s4], $0x800  }
0x2f: {  	s31 =	smax.u32 s24, $0x1;
	s23 =	sor.u32 s21, s30;
	[sflag:s4] =	ssyncset.done $0x0  }
0x30: {  	s21 =	simm.s32 $0x2900;
	s23 =	sshrl.u32 s23, $0x3;
	[sflag:s4] =	ssyncadd.s32 $0xFFFFF800  }
0x31: {  	s22 =	sadd.s32 s23, s22;
	s23 =	sadd.s32 $0xFFFFFFFF, s31;
	[bflag:$0x0] =	sbarrier.arrive $0xFFFF  }
0x32: {  	[tilespmem:s21], [sflag:$0x3] =	stream.linear.gather [spmem:s20], $0x2000, $0x38;
	[tilespmem:$0x6900] =	vst v63  }
0x33: {  	p1 =	sne.s32 s23, $0x0;
	_ =	swait.ge [sflag:s4], $0x2000  }
.Ltmp0:
0x34: {  	[sflag:s4] =	ssyncset.done $0x0;
	(pc) =	sbr.rel @!p1 .LBB2_2-.Ltmp0, $4  }
0x35: {  	s22 =	sadd.s32 $0xCE00, s22;
	[sflag:s4] =	ssyncadd.s32 $0xFFFFE000  }
0x36: {  	[hbm4b:s22+s3] =	stream.linear.scatter [tilespmem:s21], [sflag:$0x3], $0x2000, $0x38;
	[tilespmem:$0x6900] =	vst v63  }
0x37: {  	_ =	swait.ge [sflag:s4], $0x2000  }
0x38: {  	[sflag:s4] =	ssyncset.done $0x0  }
.LBB2_1:
0x39: {  	s23 =	sadd.s32 $0xFFFFFFFF, s23;
	[sflag:s4] =	ssyncadd.s32 $0xFFFFE000  }
0x3a: {  	[tilespmem:s3], [sflag:$0x3] =	stream.linear.gather [hbm4b:s5+s3], $0x80, $0x38;
	[tilespmem:$0x6900] =	vst v63  }
0x3b: {  	p1 =	sne.s32 s23, $0x0;
	_ =	swait.ge [sflag:s4], $0x80  }
0x3c: {  	[sflag:s4] =	ssyncset.done $0x0  }
0x3d: {  	[sflag:s4] =	ssyncadd.s32 $0xFFFFFF80  }
0x3e: {  	[tilespmem:s7], [sflag:$0x3] =	stream.linear.gather [hbm4b:s6+s3], $0x80, $0x38;
	[tilespmem:$0x6900] =	vst v63  }
0x3f: {  	_ =	swait.ge [sflag:s4], $0x80  }
0x40: {  	[sflag:s4] =	ssyncset.done $0x0  }
0x41: {  	[sflag:s4] =	ssyncadd.s32 $0xFFFFFF80  }
0x42: {  	[tilespmem:s9], [sflag:$0x1] =	stream.indirect.gather [hbm4b:s0+s7], $0x20, s3, s7, $0xb8;
	[tilespmem:$0x6900] =	vst v63  }
0x43: {  	_ = 	snop  }
0x44: {  	[tilespmem:s10], [sflag:$0x2] =	stream.indirect.gather [hbm4b:s0+s7], $0x20, s7, s7, $0xb8;
	[tilespmem:$0x6900] =	vst v63  }
0x45: {  	[spmem:s11], [sflag:s12] =	dma.local @!p0 [hbm:s8], $0x4000  }
0x46: {  	_ =	swait.ge @!p0 [sflag:s13], $0x4000  }
0x47: {  	[sflag:s13] =	ssyncset.done @!p0 $0x0  }
0x48: {  	[sflag:s13] =	ssyncadd.s32 @!p0 $0xFFFFC000  }
0x49: {  	[tilespmem:s15], [sflag:$0x3] =	stream.linear.gather [hbm4b:s14+s3], $0x800, $0x38;
	[tilespmem:$0x6900] =	vst v63  }
0x4a: {  	_ =	swait.ge [sflag:s4], $0x800  }
0x4b: {  	[sflag:s4] =	ssyncset.done $0x0  }
0x4c: {  	[sflag:s4] =	ssyncadd.s32 $0xFFFFF800  }
0x4d: {  	_ =	swait.ge [sflag:s16], $0x1000  }
0x4e: {  	[sflag:s16] =	ssyncset.done $0x0  }
0x4f: {  	[sflag:s16] =	ssyncadd.s32 $0xFFFFF000  }
0x50: {  	_ =	swait.ge [sflag:s17], $0x1000  }
0x51: {  	[sflag:s17] =	ssyncset.done $0x0  }
0x52: {  	[sflag:s17] =	ssyncadd.s32 $0xFFFFF000  }
0x53: {  	[hbm4b:s18+s3] =	stream.linear.scatter [tilespmem:s9], [sflag:$0x3], $0x1000, $0x38;
	[tilespmem:$0x6900] =	vst v63  }
0x54: {  	_ =	swait.ge [sflag:s4], $0x1000  }
0x55: {  	[sflag:s4] =	ssyncset.done $0x0  }
0x56: {  	[sflag:s4] =	ssyncadd.s32 $0xFFFFF000  }
0x57: {  	[hbm4b:s19+s3] =	stream.linear.scatter [tilespmem:s10], [sflag:$0x3], $0x1000, $0x38;
	[tilespmem:$0x6900] =	vst v63  }
0x58: {  	_ =	swait.ge [sflag:s4], $0x1000  }
0x59: {  	[sflag:s4] =	ssyncset.done $0x0  }
0x5a: {  	[sflag:s4] =	ssyncadd.s32 $0xFFFFF000  }
0x5b: {  	[bflag:$0x0] =	sbarrier.arrive $0xFFFF  }
0x5c: {  	[spmem:s2] =	stream.indirect.scatter.add.f32 [tilespmem:s15], [sflag:$0x3], $0x10, s3, s7, $0xb8;
	[tilespmem:$0x6900] =	vst v63  }
0x5d: {  	_ =	swait.ge [sflag:s4], $0x800  }
0x5e: {  	[sflag:s4] =	ssyncset.done $0x0  }
0x5f: {  	[sflag:s4] =	ssyncadd.s32 $0xFFFFF800  }
0x60: {  	[spmem:s2] =	stream.indirect.scatter.add.f32 [tilespmem:s15], [sflag:$0x3], $0x10, s7, s7, $0xb8;
	[tilespmem:$0x6900] =	vst v63  }
0x61: {  	_ =	swait.ge [sflag:s4], $0x800  }
0x62: {  	[sflag:s4] =	ssyncset.done $0x0  }
0x63: {  	[sflag:s4] =	ssyncadd.s32 $0xFFFFF800  }
0x64: {  	[bflag:$0x0] =	sbarrier.arrive $0xFFFF  }
0x65: {  	[tilespmem:s21], [sflag:$0x3] =	stream.linear.gather [spmem:s20], $0x2000, $0x38;
	[tilespmem:$0x6900] =	vst v63  }
0x66: {  	_ =	swait.ge [sflag:s4], $0x2000  }
.Ltmp1:
0x67: {  	[sflag:s4] =	ssyncset.done $0x0;
	(pc) =	sbr.rel @p1 .LBB2_1-.Ltmp1, $4  }
0x68: {  	[sflag:s4] =	ssyncadd.s32 $0xFFFFE000  }
0x69: {  	[hbm4b:s22+s3] =	stream.linear.scatter [tilespmem:s21], [sflag:$0x3], $0x2000, $0x38;
	[tilespmem:$0x6900] =	vst v63  }
0x6a: {  	_ =	swait.ge [sflag:s4], $0x2000  }
0x6b: {  	[sflag:s4] =	ssyncset.done $0x0  }
.LBB2_2:
0x6c: {  	[sflag:s4] =	ssyncadd.s32 $0xFFFFE000  }
0x6d: {  	_ =	sfence.sel $0x180000  }
0x6e: {  	[bflag:$0x0] =	sbarrier.arrive $0xFFFF  }
0x6f: {  	_ =	strace $0x90000047  }
0x70: {  	s0 =	sadd.s32 @!p0 $0x100000, s1;
	[bflag:$0x2] =	sbarrier.arrive $0xFFFF  }
0x71: {  	[sflag:s0] =	ssyncadd.tile.s32 @!p0 $0x1;
	_ =	shalt  }
.Lfunc_end2:
_tile_overlayer_lowered:
.L_overlay_start_2:
0x72: {  	(tag) =	ssettag $0x2  }
0x73: {  	s0 =	rddreg [dreg:$0x0];
	s2 =	stileid.u32  }
0x74: {  	s1 =	rddreg [dreg:$0x1];
	p0 =	sne.s32 s2, $0x0  }
0x75: {  	s3 =	rddreg [dreg:$0x2];
	[bflag:$0x3] =	sbarrier.arrive $0xFFFF;
	s2 =	simm.s32 @!p0 $0x1C03  }
0x76: {  	[timem:s3], [sflag:s2] =	dma.local @!p0 [hbm:s0], s1  }
0x77: {  	s0 =	simm.s32 @!p0 $0x3  }
0x78: {  	_ =	swait.ge @!p0 [sflag:s0], s1  }
0x79: {  	s1 =	ssub.s32 @!p0 $0x0, s1;
	[sflag:s0] =	ssyncset.done @!p0 $0x0  }
0x7a: {  	[sflag:s0] =	ssyncadd.s32 @!p0 s1  }
0x7b: {  	[bflag:$0x3] =	sbarrier.arrive $0xFFFF  }
0x7c: {  	_ =	shalt  }

</sc_bundles>
